<compile_context>
chip_gen: v7x
topology: tpu7x:2x2x1
jax: 0.10.2.dev20260603
libtpu: 0.0.44.dev20260713+nightly
codegen_flags: <defaults>
</compile_context>

<pallas_src>
import math

import jax
import jax.numpy as jnp
from jax import lax
from jax.experimental import pallas as pl
from jax.experimental.pallas import tpu as pltpu
from jax.experimental.pallas import tpu_sc as plsc

N = 4096
SIZE = 16384
PADDING_IDX = 0
SMOOTHING = 0.1
CONFIDENCE = 1.0 - SMOOTHING
S = SMOOTHING / (SIZE - 2)
C_CONST = (SIZE - 2) * S * math.log(S) + CONFIDENCE * math.log(CONFIDENCE)

LANES = 16

BLOCK_ROWS = 128
NUM_BLOCKS = N // BLOCK_ROWS


NSPLIT = 8
CHUNK = SIZE // NSPLIT


def _tc_body(t_ref, *refs):
    p_ref = refs[-1]
    x_refs = refs[:-1]
    t = t_ref[...].reshape(BLOCK_ROWS, 1)
    col = lax.broadcasted_iota(jnp.int32, (BLOCK_ROWS, CHUNK), 1)
    g = jnp.zeros((BLOCK_ROWS, 1), jnp.float32)
    rowsum = jnp.zeros((BLOCK_ROWS, 1), jnp.float32)
    for k, xr in enumerate(x_refs):
        b = xr[...]
        g = g + jnp.sum(jnp.where(col + (k * CHUNK) == t, b, 0.0),
                        axis=1, keepdims=True)
        rowsum = rowsum + jnp.sum(b, axis=1, keepdims=True)
    q = rowsum - x_refs[0][:, 0:1]
    p = C_CONST - S * q + (S - CONFIDENCE) * g
    p_ref[...] = p.reshape(BLOCK_ROWS)


def _tc_partials(x, target_i32):
    def _mk(k):
        return pl.BlockSpec((BLOCK_ROWS, CHUNK), lambda i, _k=k: (i, _k))
    return pl.pallas_call(
        _tc_body,
        grid=(NUM_BLOCKS,),
        in_specs=[pl.BlockSpec((BLOCK_ROWS,), lambda i: (i,))]
        + [_mk(k) for k in range(NSPLIT)],
        out_specs=pl.BlockSpec((BLOCK_ROWS,), lambda i: (i,)),
        out_shape=jax.ShapeDtypeStruct((N,), jnp.float32),
    )(target_i32, *([x] * NSPLIT))


ROWS_PER_WORKER = N // 32
NUM_CORES = 2


def _sc_body(t_hbm, w_hbm, t_v, w_v):
    wid = lax.axis_index("s") * NUM_CORES + lax.axis_index("c")
    base = wid * ROWS_PER_WORKER
    pltpu.sync_copy(t_hbm.at[pl.ds(base, ROWS_PER_WORKER)], t_v)
    for k in range(ROWS_PER_WORKER // LANES):
        sl = pl.ds(k * LANES, LANES)
        w_v[sl] = jnp.where(t_v[sl] != PADDING_IDX, 1.0, 0.0)
    pltpu.sync_copy(w_v, w_hbm.at[pl.ds(base, ROWS_PER_WORKER)])


def _sc_mask_weights(target_i32):
    mesh = plsc.VectorSubcoreMesh(core_axis_name="c", subcore_axis_name="s")
    f = pl.kernel(
        _sc_body,
        mesh=mesh,
        out_type=jax.ShapeDtypeStruct((N,), jnp.float32),
        scratch_types=[
            pltpu.VMEM((ROWS_PER_WORKER,), jnp.int32),
            pltpu.VMEM((ROWS_PER_WORKER,), jnp.float32),
        ],
    )
    return f(target_i32)


def _tc_combine_body(w_ref, p_ref, out_ref):
    out_ref[0, 0] = jnp.sum(w_ref[...] * p_ref[...])


def _tc_combine(w, p):
    return pl.pallas_call(
        _tc_combine_body,
        out_specs=pl.BlockSpec(memory_space=pltpu.SMEM),
        out_shape=jax.ShapeDtypeStruct((1, 1), jnp.float32),
    )(w, p)


def kernel(x, target):
    target_i32 = target.astype(jnp.int32)
    w = _sc_mask_weights(target_i32)
    p = _tc_partials(x, target_i32)
    return _tc_combine(w, p)[0, 0]

# --- scband reference (transcript-rebuilt; emitter-appended) ---
"""Pipeline reference for scband-label-smoothing-532575944770 (READ-ONLY COPY).

The authoritative reference and input builder live on the scoring server;
editing this copy changes nothing except your own understanding.
"""

import jax, jax.numpy as jnp
import numpy as np

N = 4096
SIZE = 16384
PADDING_IDX = 0
SMOOTHING = 0.1
CONFIDENCE = 1.0 - SMOOTHING


def setup_inputs(seed: int = 0) -> dict:
    key = jax.random.key(seed)
    k1, k2 = jax.random.split(key)
    logits = jax.random.normal(k1, (N, SIZE), dtype=jnp.float32)
    # KLDivLoss expects log-probabilities as input
    x = jax.nn.log_softmax(logits, axis=-1)
    target = jax.random.randint(k2, (N,), 0, SIZE, dtype=jnp.int64)
    return {"x": x, "target": target}


def reference(x, target):
    assert x.shape[1] == SIZE
    n = x.shape[0]
    # true_dist = x.data.clone(); fill_(smoothing / (size - 2))
    true_dist = jnp.full(x.shape, SMOOTHING / (SIZE - 2), dtype=x.dtype)
    # scatter_(1, target.unsqueeze(1), confidence)
    true_dist = true_dist.at[jnp.arange(n), target].set(CONFIDENCE)
    # true_dist[:, padding_idx] = 0
    true_dist = true_dist.at[:, PADDING_IDX].set(0.0)
    # index_fill_(0, nonzero(target == padding_idx), 0.0)
    pad_mask = (target == PADDING_IDX)
    true_dist = jnp.where(pad_mask[:, None], 0.0, true_dist)
    # KLDivLoss(reduction='sum'): sum(t * (log t - x)), with 0 where t == 0
    kl = jnp.where(true_dist > 0, true_dist * (jnp.log(true_dist) - x), 0.0)
    return jnp.sum(kl)

if __name__ == "__main__":
    import jax
    _d = setup_inputs()
    print(jax.jit(kernel)(*tuple(_d.values())))

</pallas_src>

<mosaic_0001>
#map = affine_map<(d0, d1) -> (0)>
module attributes {stable_mosaic.version = 14 : i64} {
  func.func @_sc_body(%arg0: i32, %arg1: i32, %arg2: memref<4096xi32, #tpu.memory_space<hbm>>, %arg3: memref<4096xf32, #tpu.memory_space<hbm>>, %arg4: memref<128xi32, #tpu.memory_space<vmem>>, %arg5: memref<128xf32, #tpu.memory_space<vmem>>) attributes {dimension_semantics = [#tpu.dimension_semantics<core_parallel>, #tpu.dimension_semantics<subcore_parallel>], iteration_bounds = array<i64: 2, 16>, scalar_prefetch = 0 : i64, scratch_operands = 2 : i64, tpu.core_type = #tpu.core_type<sc_vector_subcore>, window_params = [{transform_indices = #map}, {transform_indices = #map}]} {
    %mul3A = arith.constant 2 : i32
    %mul3A_0 = arith.muli %arg1, %mul3A : i32
    %add3A = arith.addi %mul3A_0, %arg0 : i32
    %mul3A_1 = arith.constant 128 : i32
    %mul3A_2 = arith.muli %add3A, %mul3A_1 : i32
    "tpu.region"() ({
      %run_scoped3A = tpu.sem_alloc : memref<!tpu.dma_semaphore, #tpu.memory_space<semaphore_mem>>
      %dma_start3A = tpu.memref_slice %arg2[%mul3A_2] : memref<4096xi32, #tpu.memory_space<hbm>> -> memref<128xi32, #tpu.memory_space<hbm>>
      %dma_start3A_117 = tpu.memref_slice %arg2[%mul3A_2] : memref<4096xi32, #tpu.memory_space<hbm>> -> memref<128xi32, #tpu.memory_space<hbm>>
      tpu.enqueue_dma source(%dma_start3A_117 : memref<128xi32, #tpu.memory_space<hbm>>) target(%arg4 : memref<128xi32, #tpu.memory_space<vmem>>) target_semaphore(%run_scoped3A : memref<!tpu.dma_semaphore, #tpu.memory_space<semaphore_mem>>)
      %dma_wait3A = tpu.memref_slice %arg2[%mul3A_2] : memref<4096xi32, #tpu.memory_space<hbm>> -> memref<128xi32, #tpu.memory_space<hbm>>
      %dma_wait3A_118 = tpu.memref_slice %arg2[%mul3A_2] : memref<4096xi32, #tpu.memory_space<hbm>> -> memref<128xi32, #tpu.memory_space<hbm>>
      tpu.wait_dma2 semaphore(%run_scoped3A : memref<!tpu.dma_semaphore, #tpu.memory_space<semaphore_mem>>) src(%dma_wait3A_118 : memref<128xi32, #tpu.memory_space<hbm>>) dst(%arg4 : memref<128xi32, #tpu.memory_space<vmem>>)
      tpu.yield
    }) : () -> ()
    %get3A = arith.constant 0 : index
    %get3A_3 = tpu.vector_load %arg4[%get3A] {strides = array<i32>} : memref<128xi32, #tpu.memory_space<vmem>>, vector<16xi32>,
    %get3A_4 = vector.shape_cast %get3A_3 : vector<16xi32> to vector<16xi32>
    %ne3A = arith.constant 0 : i32
    %ne3A_5 = vector.broadcast %ne3A : i32 to vector<16xi32>
    %ne3A_6 = arith.cmpi ne, %get3A_4, %ne3A_5 : vector<16xi32>
    %jit3A = arith.constant 1.000000e+00 : f32
    %jit3A_7 = arith.constant 0.000000e+00 : f32
    %broadcast_in_dim3A = vector.broadcast %jit3A : f32 to vector<16xf32>
    %broadcast_in_dim3A_8 = vector.broadcast %jit3A_7 : f32 to vector<16xf32>
    %select_n3A = arith.select %ne3A_6, %broadcast_in_dim3A, %broadcast_in_dim3A_8 : vector<16xi1>, vector<16xf32>
    %swap3A = arith.constant 0 : index
    %swap3A_9 = tpu.vector_load %arg5[%swap3A] {strides = array<i32>} : memref<128xf32, #tpu.memory_space<vmem>>, vector<16xf32>,
    %swap3A_10 = vector.shape_cast %swap3A_9 : vector<16xf32> to vector<16xf32>
    %swap3A_11 = vector.shape_cast %select_n3A : vector<16xf32> to vector<16xf32>
    tpu.vector_store %arg5[%swap3A], %swap3A_11 {strides = array<i32>} : memref<128xf32, #tpu.memory_space<vmem>>, vector<16xf32>,
    %get3A_12 = arith.constant 16 : index
    %get3A_13 = tpu.vector_load %arg4[%get3A_12] {strides = array<i32>} : memref<128xi32, #tpu.memory_space<vmem>>, vector<16xi32>,
    %get3A_14 = vector.shape_cast %get3A_13 : vector<16xi32> to vector<16xi32>
    %ne3A_15 = arith.constant 0 : i32
    %ne3A_16 = vector.broadcast %ne3A_15 : i32 to vector<16xi32>
    %ne3A_17 = arith.cmpi ne, %get3A_14, %ne3A_16 : vector<16xi32>
    %jit3A_18 = arith.constant 1.000000e+00 : f32
    %jit3A_19 = arith.constant 0.000000e+00 : f32
    %broadcast_in_dim3A_20 = vector.broadcast %jit3A_18 : f32 to vector<16xf32>
    %broadcast_in_dim3A_21 = vector.broadcast %jit3A_19 : f32 to vector<16xf32>
    %select_n3A_22 = arith.select %ne3A_17, %broadcast_in_dim3A_20, %broadcast_in_dim3A_21 : vector<16xi1>, vector<16xf32>
    %swap3A_23 = arith.constant 16 : index
    %swap3A_24 = tpu.vector_load %arg5[%swap3A_23] {strides = array<i32>} : memref<128xf32, #tpu.memory_space<vmem>>, vector<16xf32>,
    %swap3A_25 = vector.shape_cast %swap3A_24 : vector<16xf32> to vector<16xf32>
    %swap3A_26 = vector.shape_cast %select_n3A_22 : vector<16xf32> to vector<16xf32>
    tpu.vector_store %arg5[%swap3A_23], %swap3A_26 {strides = array<i32>} : memref<128xf32, #tpu.memory_space<vmem>>, vector<16xf32>,
    %get3A_27 = arith.constant 32 : index
    %get3A_28 = tpu.vector_load %arg4[%get3A_27] {strides = array<i32>} : memref<128xi32, #tpu.memory_space<vmem>>, vector<16xi32>,
    %get3A_29 = vector.shape_cast %get3A_28 : vector<16xi32> to vector<16xi32>
    %ne3A_30 = arith.constant 0 : i32
    %ne3A_31 = vector.broadcast %ne3A_30 : i32 to vector<16xi32>
    %ne3A_32 = arith.cmpi ne, %get3A_29, %ne3A_31 : vector<16xi32>
    %jit3A_33 = arith.constant 1.000000e+00 : f32
    %jit3A_34 = arith.constant 0.000000e+00 : f32
    %broadcast_in_dim3A_35 = vector.broadcast %jit3A_33 : f32 to vector<16xf32>
    %broadcast_in_dim3A_36 = vector.broadcast %jit3A_34 : f32 to vector<16xf32>
    %select_n3A_37 = arith.select %ne3A_32, %broadcast_in_dim3A_35, %broadcast_in_dim3A_36 : vector<16xi1>, vector<16xf32>
    %swap3A_38 = arith.constant 32 : index
    %swap3A_39 = tpu.vector_load %arg5[%swap3A_38] {strides = array<i32>} : memref<128xf32, #tpu.memory_space<vmem>>, vector<16xf32>,
    %swap3A_40 = vector.shape_cast %swap3A_39 : vector<16xf32> to vector<16xf32>
    %swap3A_41 = vector.shape_cast %select_n3A_37 : vector<16xf32> to vector<16xf32>
    tpu.vector_store %arg5[%swap3A_38], %swap3A_41 {strides = array<i32>} : memref<128xf32, #tpu.memory_space<vmem>>, vector<16xf32>,
    %get3A_42 = arith.constant 48 : index
    %get3A_43 = tpu.vector_load %arg4[%get3A_42] {strides = array<i32>} : memref<128xi32, #tpu.memory_space<vmem>>, vector<16xi32>,
    %get3A_44 = vector.shape_cast %get3A_43 : vector<16xi32> to vector<16xi32>
    %ne3A_45 = arith.constant 0 : i32
    %ne3A_46 = vector.broadcast %ne3A_45 : i32 to vector<16xi32>
    %ne3A_47 = arith.cmpi ne, %get3A_44, %ne3A_46 : vector<16xi32>
    %jit3A_48 = arith.constant 1.000000e+00 : f32
    %jit3A_49 = arith.constant 0.000000e+00 : f32
    %broadcast_in_dim3A_50 = vector.broadcast %jit3A_48 : f32 to vector<16xf32>
    %broadcast_in_dim3A_51 = vector.broadcast %jit3A_49 : f32 to vector<16xf32>
    %select_n3A_52 = arith.select %ne3A_47, %broadcast_in_dim3A_50, %broadcast_in_dim3A_51 : vector<16xi1>, vector<16xf32>
    %swap3A_53 = arith.constant 48 : index
    %swap3A_54 = tpu.vector_load %arg5[%swap3A_53] {strides = array<i32>} : memref<128xf32, #tpu.memory_space<vmem>>, vector<16xf32>,
    %swap3A_55 = vector.shape_cast %swap3A_54 : vector<16xf32> to vector<16xf32>
    %swap3A_56 = vector.shape_cast %select_n3A_52 : vector<16xf32> to vector<16xf32>
    tpu.vector_store %arg5[%swap3A_53], %swap3A_56 {strides = array<i32>} : memref<128xf32, #tpu.memory_space<vmem>>, vector<16xf32>,
    %get3A_57 = arith.constant 64 : index
    %get3A_58 = tpu.vector_load %arg4[%get3A_57] {strides = array<i32>} : memref<128xi32, #tpu.memory_space<vmem>>, vector<16xi32>,
    %get3A_59 = vector.shape_cast %get3A_58 : vector<16xi32> to vector<16xi32>
    %ne3A_60 = arith.constant 0 : i32
    %ne3A_61 = vector.broadcast %ne3A_60 : i32 to vector<16xi32>
    %ne3A_62 = arith.cmpi ne, %get3A_59, %ne3A_61 : vector<16xi32>
    %jit3A_63 = arith.constant 1.000000e+00 : f32
    %jit3A_64 = arith.constant 0.000000e+00 : f32
    %broadcast_in_dim3A_65 = vector.broadcast %jit3A_63 : f32 to vector<16xf32>
    %broadcast_in_dim3A_66 = vector.broadcast %jit3A_64 : f32 to vector<16xf32>
    %select_n3A_67 = arith.select %ne3A_62, %broadcast_in_dim3A_65, %broadcast_in_dim3A_66 : vector<16xi1>, vector<16xf32>
    %swap3A_68 = arith.constant 64 : index
    %swap3A_69 = tpu.vector_load %arg5[%swap3A_68] {strides = array<i32>} : memref<128xf32, #tpu.memory_space<vmem>>, vector<16xf32>,
    %swap3A_70 = vector.shape_cast %swap3A_69 : vector<16xf32> to vector<16xf32>
    %swap3A_71 = vector.shape_cast %select_n3A_67 : vector<16xf32> to vector<16xf32>
    tpu.vector_store %arg5[%swap3A_68], %swap3A_71 {strides = array<i32>} : memref<128xf32, #tpu.memory_space<vmem>>, vector<16xf32>,
    %get3A_72 = arith.constant 80 : index
    %get3A_73 = tpu.vector_load %arg4[%get3A_72] {strides = array<i32>} : memref<128xi32, #tpu.memory_space<vmem>>, vector<16xi32>,
    %get3A_74 = vector.shape_cast %get3A_73 : vector<16xi32> to vector<16xi32>
    %ne3A_75 = arith.constant 0 : i32
    %ne3A_76 = vector.broadcast %ne3A_75 : i32 to vector<16xi32>
    %ne3A_77 = arith.cmpi ne, %get3A_74, %ne3A_76 : vector<16xi32>
    %jit3A_78 = arith.constant 1.000000e+00 : f32
    %jit3A_79 = arith.constant 0.000000e+00 : f32
    %broadcast_in_dim3A_80 = vector.broadcast %jit3A_78 : f32 to vector<16xf32>
    %broadcast_in_dim3A_81 = vector.broadcast %jit3A_79 : f32 to vector<16xf32>
    %select_n3A_82 = arith.select %ne3A_77, %broadcast_in_dim3A_80, %broadcast_in_dim3A_81 : vector<16xi1>, vector<16xf32>
    %swap3A_83 = arith.constant 80 : index
    %swap3A_84 = tpu.vector_load %arg5[%swap3A_83] {strides = array<i32>} : memref<128xf32, #tpu.memory_space<vmem>>, vector<16xf32>,
    %swap3A_85 = vector.shape_cast %swap3A_84 : vector<16xf32> to vector<16xf32>
    %swap3A_86 = vector.shape_cast %select_n3A_82 : vector<16xf32> to vector<16xf32>
    tpu.vector_store %arg5[%swap3A_83], %swap3A_86 {strides = array<i32>} : memref<128xf32, #tpu.memory_space<vmem>>, vector<16xf32>,
    %get3A_87 = arith.constant 96 : index
    %get3A_88 = tpu.vector_load %arg4[%get3A_87] {strides = array<i32>} : memref<128xi32, #tpu.memory_space<vmem>>, vector<16xi32>,
    %get3A_89 = vector.shape_cast %get3A_88 : vector<16xi32> to vector<16xi32>
    %ne3A_90 = arith.constant 0 : i32
    %ne3A_91 = vector.broadcast %ne3A_90 : i32 to vector<16xi32>
    %ne3A_92 = arith.cmpi ne, %get3A_89, %ne3A_91 : vector<16xi32>
    %jit3A_93 = arith.constant 1.000000e+00 : f32
    %jit3A_94 = arith.constant 0.000000e+00 : f32
    %broadcast_in_dim3A_95 = vector.broadcast %jit3A_93 : f32 to vector<16xf32>
    %broadcast_in_dim3A_96 = vector.broadcast %jit3A_94 : f32 to vector<16xf32>
    %select_n3A_97 = arith.select %ne3A_92, %broadcast_in_dim3A_95, %broadcast_in_dim3A_96 : vector<16xi1>, vector<16xf32>
    %swap3A_98 = arith.constant 96 : index
    %swap3A_99 = tpu.vector_load %arg5[%swap3A_98] {strides = array<i32>} : memref<128xf32, #tpu.memory_space<vmem>>, vector<16xf32>,
    %swap3A_100 = vector.shape_cast %swap3A_99 : vector<16xf32> to vector<16xf32>
    %swap3A_101 = vector.shape_cast %select_n3A_97 : vector<16xf32> to vector<16xf32>
    tpu.vector_store %arg5[%swap3A_98], %swap3A_101 {strides = array<i32>} : memref<128xf32, #tpu.memory_space<vmem>>, vector<16xf32>,
    %get3A_102 = arith.constant 112 : index
    %get3A_103 = tpu.vector_load %arg4[%get3A_102] {strides = array<i32>} : memref<128xi32, #tpu.memory_space<vmem>>, vector<16xi32>,
    %get3A_104 = vector.shape_cast %get3A_103 : vector<16xi32> to vector<16xi32>
    %ne3A_105 = arith.constant 0 : i32
    %ne3A_106 = vector.broadcast %ne3A_105 : i32 to vector<16xi32>
    %ne3A_107 = arith.cmpi ne, %get3A_104, %ne3A_106 : vector<16xi32>
    %jit3A_108 = arith.constant 1.000000e+00 : f32
    %jit3A_109 = arith.constant 0.000000e+00 : f32
    %broadcast_in_dim3A_110 = vector.broadcast %jit3A_108 : f32 to vector<16xf32>
    %broadcast_in_dim3A_111 = vector.broadcast %jit3A_109 : f32 to vector<16xf32>
    %select_n3A_112 = arith.select %ne3A_107, %broadcast_in_dim3A_110, %broadcast_in_dim3A_111 : vector<16xi1>, vector<16xf32>
    %swap3A_113 = arith.constant 112 : index
    %swap3A_114 = tpu.vector_load %arg5[%swap3A_113] {strides = array<i32>} : memref<128xf32, #tpu.memory_space<vmem>>, vector<16xf32>,
    %swap3A_115 = vector.shape_cast %swap3A_114 : vector<16xf32> to vector<16xf32>
    %swap3A_116 = vector.shape_cast %select_n3A_112 : vector<16xf32> to vector<16xf32>
    tpu.vector_store %arg5[%swap3A_113], %swap3A_116 {strides = array<i32>} : memref<128xf32, #tpu.memory_space<vmem>>, vector<16xf32>,
    "tpu.region"() ({
      %run_scoped3A = tpu.sem_alloc : memref<!tpu.dma_semaphore, #tpu.memory_space<semaphore_mem>>
      %dma_start3A = tpu.memref_slice %arg3[%mul3A_2] : memref<4096xf32, #tpu.memory_space<hbm>> -> memref<128xf32, #tpu.memory_space<hbm>>
      %dma_start3A_117 = tpu.memref_slice %arg3[%mul3A_2] : memref<4096xf32, #tpu.memory_space<hbm>> -> memref<128xf32, #tpu.memory_space<hbm>>
      tpu.enqueue_dma source(%arg5 : memref<128xf32, #tpu.memory_space<vmem>>) target(%dma_start3A_117 : memref<128xf32, #tpu.memory_space<hbm>>) target_semaphore(%run_scoped3A : memref<!tpu.dma_semaphore, #tpu.memory_space<semaphore_mem>>)
      %dma_wait3A = tpu.memref_slice %arg3[%mul3A_2] : memref<4096xf32, #tpu.memory_space<hbm>> -> memref<128xf32, #tpu.memory_space<hbm>>
      %dma_wait3A_118 = tpu.memref_slice %arg3[%mul3A_2] : memref<4096xf32, #tpu.memory_space<hbm>> -> memref<128xf32, #tpu.memory_space<hbm>>
      tpu.wait_dma2 semaphore(%run_scoped3A : memref<!tpu.dma_semaphore, #tpu.memory_space<semaphore_mem>>) src(%arg5 : memref<128xf32, #tpu.memory_space<vmem>>) dst(%dma_wait3A_118 : memref<128xf32, #tpu.memory_space<hbm>>)
      tpu.yield
    }) : () -> ()
    return
  }
}

module attributes {stable_mosaic.version = 14 : i64} {
  func.func @_tc_combine_body(%arg0: memref<4096xf32, #tpu.memory_space<vmem>>, %arg1: memref<4096xf32, #tpu.memory_space<vmem>>, %arg2: memref<1x1xf32, #tpu.memory_space<smem>>) attributes {dimension_semantics = [], scalar_prefetch = 0 : i64, scratch_operands = 0 : i64, tpu.core_type = #tpu.core_type<tc>} {
    %get3A = arith.constant 0 : index
    %get3A_0 = vector.load %arg0[%get3A] : memref<4096xf32, #tpu.memory_space<vmem>>, vector<4096xf32>
    %get3A_1 = arith.constant 0 : index
    %get3A_2 = vector.load %arg1[%get3A_1] : memref<4096xf32, #tpu.memory_space<vmem>>, vector<4096xf32>
    %mul3A = arith.mulf %get3A_0, %get3A_2 : vector<4096xf32>
    %reduce_sum3A = vector.shape_cast %mul3A : vector<4096xf32> to vector<1x4096xf32>
    %reduce_sum3A_3 = arith.constant dense<0.000000e+00> : vector<1xf32>
    %reduce_sum3A_4 = vector.multi_reduction <add>, %reduce_sum3A, %reduce_sum3A_3 [1] : vector<1x4096xf32> to vector<1xf32>
    %reduce_sum3A_5 = vector.shape_cast %reduce_sum3A_4 : vector<1xf32> to vector<1x1xf32>
    %reduce_sum3A_6 = vector.extract %reduce_sum3A_5[0, 0] : f32 from vector<1x1xf32>
    %swap3A = arith.constant 0 : index
    %swap3A_7 = arith.constant 0 : index
    %swap3A_8 = memref.load %arg2[%swap3A, %swap3A_7] : memref<1x1xf32, #tpu.memory_space<smem>>
    memref.store %reduce_sum3A_6, %arg2[%swap3A, %swap3A_7] : memref<1x1xf32, #tpu.memory_space<smem>>
    return
  }
}

module attributes {stable_mosaic.version = 14 : i64} {
  func.func @_tc_body(%arg0: i32, %arg1: memref<128xi32, #tpu.memory_space<vmem>>, %arg2: memref<128x2048xf32, #tpu.memory_space<vmem>>, %arg3: memref<128x2048xf32, #tpu.memory_space<vmem>>, %arg4: memref<128x2048xf32, #tpu.memory_space<vmem>>, %arg5: memref<128x2048xf32, #tpu.memory_space<vmem>>, %arg6: memref<128x2048xf32, #tpu.memory_space<vmem>>, %arg7: memref<128x2048xf32, #tpu.memory_space<vmem>>, %arg8: memref<128x2048xf32, #tpu.memory_space<vmem>>, %arg9: memref<128x2048xf32, #tpu.memory_space<vmem>>, %arg10: memref<128xf32, #tpu.memory_space<vmem>>) attributes {dimension_semantics = [#tpu.dimension_semantics<arbitrary>], iteration_bounds = array<i64: 32>, scalar_prefetch = 0 : i64, scratch_operands = 0 : i64, tpu.core_type = #tpu.core_type<tc>, window_params = [{transform_indices = @transform_0, window_bounds = array<i64: 128>}, {transform_indices = @transform_1, window_bounds = array<i64: 128, 2048>}, {transform_indices = @transform_2, window_bounds = array<i64: 128, 2048>}, {transform_indices = @transform_3, window_bounds = array<i64: 128, 2048>}, {transform_indices = @transform_4, window_bounds = array<i64: 128, 2048>}, {transform_indices = @transform_5, window_bounds = array<i64: 128, 2048>}, {transform_indices = @transform_6, window_bounds = array<i64: 128, 2048>}, {transform_indices = @transform_7, window_bounds = array<i64: 128, 2048>}, {transform_indices = @transform_8, window_bounds = array<i64: 128, 2048>}, {transform_indices = @transform_9, window_bounds = array<i64: 128>}]} {
    %get3A = arith.constant 0 : index
    %get3A_0 = vector.load %arg1[%get3A] : memref<128xi32, #tpu.memory_space<vmem>>, vector<128xi32>
    %reshape3A = vector.shape_cast %get3A_0 : vector<128xi32> to vector<128x1xi32>
    %iota3A = tpu.iota {dimensions = array<i32: 1>} : vector<128x2048xi32>
    %broadcast_in_dim3A = arith.constant 0.000000e+00 : f32
    %broadcast_in_dim3A_1 = vector.broadcast %broadcast_in_dim3A : f32 to vector<128x1xf32>
    %broadcast_in_dim3A_2 = arith.constant 0.000000e+00 : f32
    %broadcast_in_dim3A_3 = vector.broadcast %broadcast_in_dim3A_2 : f32 to vector<128x1xf32>
    %get3A_4 = arith.constant 0 : index
    %get3A_5 = arith.constant 0 : index
    %get3A_6 = vector.load %arg2[%get3A_4, %get3A_5] : memref<128x2048xf32, #tpu.memory_space<vmem>>, vector<128x2048xf32>
    %add3A = arith.constant 0 : i32
    %add3A_7 = vector.broadcast %add3A : i32 to vector<128x2048xi32>
    %add3A_8 = arith.addi %iota3A, %add3A_7 : vector<128x2048xi32>
    %eq3A = vector.broadcast %reshape3A : vector<128x1xi32> to vector<128x2048xi32>
    %eq3A_9 = arith.cmpi eq, %add3A_8, %eq3A : vector<128x2048xi32>
    %jit3A = arith.constant 0.000000e+00 : f32
    %broadcast_in_dim3A_10 = vector.broadcast %jit3A : f32 to vector<128x2048xf32>
    %select_n3A = arith.select %eq3A_9, %get3A_6, %broadcast_in_dim3A_10 : vector<128x2048xi1>, vector<128x2048xf32>
    %reduce_sum3A = arith.constant dense<0.000000e+00> : vector<128xf32>
    %reduce_sum3A_11 = vector.multi_reduction <add>, %select_n3A, %reduce_sum3A [1] : vector<128x2048xf32> to vector<128xf32>
    %broadcast_in_dim3A_12 = vector.shape_cast %reduce_sum3A_11 : vector<128xf32> to vector<128x1xf32>
    %add3A_13 = arith.addf %broadcast_in_dim3A_1, %broadcast_in_dim3A_12 : vector<128x1xf32>
    %reduce_sum3A_14 = arith.constant dense<0.000000e+00> : vector<128xf32>
    %reduce_sum3A_15 = vector.multi_reduction <add>, %get3A_6, %reduce_sum3A_14 [1] : vector<128x2048xf32> to vector<128xf32>
    %broadcast_in_dim3A_16 = vector.shape_cast %reduce_sum3A_15 : vector<128xf32> to vector<128x1xf32>
    %add3A_17 = arith.addf %broadcast_in_dim3A_3, %broadcast_in_dim3A_16 : vector<128x1xf32>
    %get3A_18 = arith.constant 0 : index
    %get3A_19 = arith.constant 0 : index
    %get3A_20 = vector.load %arg3[%get3A_18, %get3A_19] : memref<128x2048xf32, #tpu.memory_space<vmem>>, vector<128x2048xf32>
    %add3A_21 = arith.constant 2048 : i32
    %add3A_22 = vector.broadcast %add3A_21 : i32 to vector<128x2048xi32>
    %add3A_23 = arith.addi %iota3A, %add3A_22 : vector<128x2048xi32>
    %eq3A_24 = vector.broadcast %reshape3A : vector<128x1xi32> to vector<128x2048xi32>
    %eq3A_25 = arith.cmpi eq, %add3A_23, %eq3A_24 : vector<128x2048xi32>
    %jit3A_26 = arith.constant 0.000000e+00 : f32
    %broadcast_in_dim3A_27 = vector.broadcast %jit3A_26 : f32 to vector<128x2048xf32>
    %select_n3A_28 = arith.select %eq3A_25, %get3A_20, %broadcast_in_dim3A_27 : vector<128x2048xi1>, vector<128x2048xf32>
    %reduce_sum3A_29 = arith.constant dense<0.000000e+00> : vector<128xf32>
    %reduce_sum3A_30 = vector.multi_reduction <add>, %select_n3A_28, %reduce_sum3A_29 [1] : vector<128x2048xf32> to vector<128xf32>
    %broadcast_in_dim3A_31 = vector.shape_cast %reduce_sum3A_30 : vector<128xf32> to vector<128x1xf32>
    %add3A_32 = arith.addf %add3A_13, %broadcast_in_dim3A_31 : vector<128x1xf32>
    %reduce_sum3A_33 = arith.constant dense<0.000000e+00> : vector<128xf32>
    %reduce_sum3A_34 = vector.multi_reduction <add>, %get3A_20, %reduce_sum3A_33 [1] : vector<128x2048xf32> to vector<128xf32>
    %broadcast_in_dim3A_35 = vector.shape_cast %reduce_sum3A_34 : vector<128xf32> to vector<128x1xf32>
    %add3A_36 = arith.addf %add3A_17, %broadcast_in_dim3A_35 : vector<128x1xf32>
    %get3A_37 = arith.constant 0 : index
    %get3A_38 = arith.constant 0 : index
    %get3A_39 = vector.load %arg4[%get3A_37, %get3A_38] : memref<128x2048xf32, #tpu.memory_space<vmem>>, vector<128x2048xf32>
    %add3A_40 = arith.constant 4096 : i32
    %add3A_41 = vector.broadcast %add3A_40 : i32 to vector<128x2048xi32>
    %add3A_42 = arith.addi %iota3A, %add3A_41 : vector<128x2048xi32>
    %eq3A_43 = vector.broadcast %reshape3A : vector<128x1xi32> to vector<128x2048xi32>
    %eq3A_44 = arith.cmpi eq, %add3A_42, %eq3A_43 : vector<128x2048xi32>
    %jit3A_45 = arith.constant 0.000000e+00 : f32
    %broadcast_in_dim3A_46 = vector.broadcast %jit3A_45 : f32 to vector<128x2048xf32>
    %select_n3A_47 = arith.select %eq3A_44, %get3A_39, %broadcast_in_dim3A_46 : vector<128x2048xi1>, vector<128x2048xf32>
    %reduce_sum3A_48 = arith.constant dense<0.000000e+00> : vector<128xf32>
    %reduce_sum3A_49 = vector.multi_reduction <add>, %select_n3A_47, %reduce_sum3A_48 [1] : vector<128x2048xf32> to vector<128xf32>
    %broadcast_in_dim3A_50 = vector.shape_cast %reduce_sum3A_49 : vector<128xf32> to vector<128x1xf32>
    %add3A_51 = arith.addf %add3A_32, %broadcast_in_dim3A_50 : vector<128x1xf32>
    %reduce_sum3A_52 = arith.constant dense<0.000000e+00> : vector<128xf32>
    %reduce_sum3A_53 = vector.multi_reduction <add>, %get3A_39, %reduce_sum3A_52 [1] : vector<128x2048xf32> to vector<128xf32>
    %broadcast_in_dim3A_54 = vector.shape_cast %reduce_sum3A_53 : vector<128xf32> to vector<128x1xf32>
    %add3A_55 = arith.addf %add3A_36, %broadcast_in_dim3A_54 : vector<128x1xf32>
    %get3A_56 = arith.constant 0 : index
    %get3A_57 = arith.constant 0 : index
    %get3A_58 = vector.load %arg5[%get3A_56, %get3A_57] : memref<128x2048xf32, #tpu.memory_space<vmem>>, vector<128x2048xf32>
    %add3A_59 = arith.constant 6144 : i32
    %add3A_60 = vector.broadcast %add3A_59 : i32 to vector<128x2048xi32>
    %add3A_61 = arith.addi %iota3A, %add3A_60 : vector<128x2048xi32>
    %eq3A_62 = vector.broadcast %reshape3A : vector<128x1xi32> to vector<128x2048xi32>
    %eq3A_63 = arith.cmpi eq, %add3A_61, %eq3A_62 : vector<128x2048xi32>
    %jit3A_64 = arith.constant 0.000000e+00 : f32
    %broadcast_in_dim3A_65 = vector.broadcast %jit3A_64 : f32 to vector<128x2048xf32>
    %select_n3A_66 = arith.select %eq3A_63, %get3A_58, %broadcast_in_dim3A_65 : vector<128x2048xi1>, vector<128x2048xf32>
    %reduce_sum3A_67 = arith.constant dense<0.000000e+00> : vector<128xf32>
    %reduce_sum3A_68 = vector.multi_reduction <add>, %select_n3A_66, %reduce_sum3A_67 [1] : vector<128x2048xf32> to vector<128xf32>
    %broadcast_in_dim3A_69 = vector.shape_cast %reduce_sum3A_68 : vector<128xf32> to vector<128x1xf32>
    %add3A_70 = arith.addf %add3A_51, %broadcast_in_dim3A_69 : vector<128x1xf32>
    %reduce_sum3A_71 = arith.constant dense<0.000000e+00> : vector<128xf32>
    %reduce_sum3A_72 = vector.multi_reduction <add>, %get3A_58, %reduce_sum3A_71 [1] : vector<128x2048xf32> to vector<128xf32>
    %broadcast_in_dim3A_73 = vector.shape_cast %reduce_sum3A_72 : vector<128xf32> to vector<128x1xf32>
    %add3A_74 = arith.addf %add3A_55, %broadcast_in_dim3A_73 : vector<128x1xf32>
    %get3A_75 = arith.constant 0 : index
    %get3A_76 = arith.constant 0 : index
    %get3A_77 = vector.load %arg6[%get3A_75, %get3A_76] : memref<128x2048xf32, #tpu.memory_space<vmem>>, vector<128x2048xf32>
    %add3A_78 = arith.constant 8192 : i32
    %add3A_79 = vector.broadcast %add3A_78 : i32 to vector<128x2048xi32>
    %add3A_80 = arith.addi %iota3A, %add3A_79 : vector<128x2048xi32>
    %eq3A_81 = vector.broadcast %reshape3A : vector<128x1xi32> to vector<128x2048xi32>
    %eq3A_82 = arith.cmpi eq, %add3A_80, %eq3A_81 : vector<128x2048xi32>
    %jit3A_83 = arith.constant 0.000000e+00 : f32
    %broadcast_in_dim3A_84 = vector.broadcast %jit3A_83 : f32 to vector<128x2048xf32>
    %select_n3A_85 = arith.select %eq3A_82, %get3A_77, %broadcast_in_dim3A_84 : vector<128x2048xi1>, vector<128x2048xf32>
    %reduce_sum3A_86 = arith.constant dense<0.000000e+00> : vector<128xf32>
    %reduce_sum3A_87 = vector.multi_reduction <add>, %select_n3A_85, %reduce_sum3A_86 [1] : vector<128x2048xf32> to vector<128xf32>
    %broadcast_in_dim3A_88 = vector.shape_cast %reduce_sum3A_87 : vector<128xf32> to vector<128x1xf32>
    %add3A_89 = arith.addf %add3A_70, %broadcast_in_dim3A_88 : vector<128x1xf32>
    %reduce_sum3A_90 = arith.constant dense<0.000000e+00> : vector<128xf32>
    %reduce_sum3A_91 = vector.multi_reduction <add>, %get3A_77, %reduce_sum3A_90 [1] : vector<128x2048xf32> to vector<128xf32>
    %broadcast_in_dim3A_92 = vector.shape_cast %reduce_sum3A_91 : vector<128xf32> to vector<128x1xf32>
    %add3A_93 = arith.addf %add3A_74, %broadcast_in_dim3A_92 : vector<128x1xf32>
    %get3A_94 = arith.constant 0 : index
    %get3A_95 = arith.constant 0 : index
    %get3A_96 = vector.load %arg7[%get3A_94, %get3A_95] : memref<128x2048xf32, #tpu.memory_space<vmem>>, vector<128x2048xf32>
    %add3A_97 = arith.constant 10240 : i32
    %add3A_98 = vector.broadcast %add3A_97 : i32 to vector<128x2048xi32>
    %add3A_99 = arith.addi %iota3A, %add3A_98 : vector<128x2048xi32>
    %eq3A_100 = vector.broadcast %reshape3A : vector<128x1xi32> to vector<128x2048xi32>
    %eq3A_101 = arith.cmpi eq, %add3A_99, %eq3A_100 : vector<128x2048xi32>
    %jit3A_102 = arith.constant 0.000000e+00 : f32
    %broadcast_in_dim3A_103 = vector.broadcast %jit3A_102 : f32 to vector<128x2048xf32>
    %select_n3A_104 = arith.select %eq3A_101, %get3A_96, %broadcast_in_dim3A_103 : vector<128x2048xi1>, vector<128x2048xf32>
    %reduce_sum3A_105 = arith.constant dense<0.000000e+00> : vector<128xf32>
    %reduce_sum3A_106 = vector.multi_reduction <add>, %select_n3A_104, %reduce_sum3A_105 [1] : vector<128x2048xf32> to vector<128xf32>
    %broadcast_in_dim3A_107 = vector.shape_cast %reduce_sum3A_106 : vector<128xf32> to vector<128x1xf32>
    %add3A_108 = arith.addf %add3A_89, %broadcast_in_dim3A_107 : vector<128x1xf32>
    %reduce_sum3A_109 = arith.constant dense<0.000000e+00> : vector<128xf32>
    %reduce_sum3A_110 = vector.multi_reduction <add>, %get3A_96, %reduce_sum3A_109 [1] : vector<128x2048xf32> to vector<128xf32>
    %broadcast_in_dim3A_111 = vector.shape_cast %reduce_sum3A_110 : vector<128xf32> to vector<128x1xf32>
    %add3A_112 = arith.addf %add3A_93, %broadcast_in_dim3A_111 : vector<128x1xf32>
    %get3A_113 = arith.constant 0 : index
    %get3A_114 = arith.constant 0 : index
    %get3A_115 = vector.load %arg8[%get3A_113, %get3A_114] : memref<128x2048xf32, #tpu.memory_space<vmem>>, vector<128x2048xf32>
    %add3A_116 = arith.constant 12288 : i32
    %add3A_117 = vector.broadcast %add3A_116 : i32 to vector<128x2048xi32>
    %add3A_118 = arith.addi %iota3A, %add3A_117 : vector<128x2048xi32>
    %eq3A_119 = vector.broadcast %reshape3A : vector<128x1xi32> to vector<128x2048xi32>
    %eq3A_120 = arith.cmpi eq, %add3A_118, %eq3A_119 : vector<128x2048xi32>
    %jit3A_121 = arith.constant 0.000000e+00 : f32
    %broadcast_in_dim3A_122 = vector.broadcast %jit3A_121 : f32 to vector<128x2048xf32>
    %select_n3A_123 = arith.select %eq3A_120, %get3A_115, %broadcast_in_dim3A_122 : vector<128x2048xi1>, vector<128x2048xf32>
    %reduce_sum3A_124 = arith.constant dense<0.000000e+00> : vector<128xf32>
    %reduce_sum3A_125 = vector.multi_reduction <add>, %select_n3A_123, %reduce_sum3A_124 [1] : vector<128x2048xf32> to vector<128xf32>
    %broadcast_in_dim3A_126 = vector.shape_cast %reduce_sum3A_125 : vector<128xf32> to vector<128x1xf32>
    %add3A_127 = arith.addf %add3A_108, %broadcast_in_dim3A_126 : vector<128x1xf32>
    %reduce_sum3A_128 = arith.constant dense<0.000000e+00> : vector<128xf32>
    %reduce_sum3A_129 = vector.multi_reduction <add>, %get3A_115, %reduce_sum3A_128 [1] : vector<128x2048xf32> to vector<128xf32>
    %broadcast_in_dim3A_130 = vector.shape_cast %reduce_sum3A_129 : vector<128xf32> to vector<128x1xf32>
    %add3A_131 = arith.addf %add3A_112, %broadcast_in_dim3A_130 : vector<128x1xf32>
    %get3A_132 = arith.constant 0 : index
    %get3A_133 = arith.constant 0 : index
    %get3A_134 = vector.load %arg9[%get3A_132, %get3A_133] : memref<128x2048xf32, #tpu.memory_space<vmem>>, vector<128x2048xf32>
    %add3A_135 = arith.constant 14336 : i32
    %add3A_136 = vector.broadcast %add3A_135 : i32 to vector<128x2048xi32>
    %add3A_137 = arith.addi %iota3A, %add3A_136 : vector<128x2048xi32>
    %eq3A_138 = vector.broadcast %reshape3A : vector<128x1xi32> to vector<128x2048xi32>
    %eq3A_139 = arith.cmpi eq, %add3A_137, %eq3A_138 : vector<128x2048xi32>
    %jit3A_140 = arith.constant 0.000000e+00 : f32
    %broadcast_in_dim3A_141 = vector.broadcast %jit3A_140 : f32 to vector<128x2048xf32>
    %select_n3A_142 = arith.select %eq3A_139, %get3A_134, %broadcast_in_dim3A_141 : vector<128x2048xi1>, vector<128x2048xf32>
    %reduce_sum3A_143 = arith.constant dense<0.000000e+00> : vector<128xf32>
    %reduce_sum3A_144 = vector.multi_reduction <add>, %select_n3A_142, %reduce_sum3A_143 [1] : vector<128x2048xf32> to vector<128xf32>
    %broadcast_in_dim3A_145 = vector.shape_cast %reduce_sum3A_144 : vector<128xf32> to vector<128x1xf32>
    %add3A_146 = arith.addf %add3A_127, %broadcast_in_dim3A_145 : vector<128x1xf32>
    %reduce_sum3A_147 = arith.constant dense<0.000000e+00> : vector<128xf32>
    %reduce_sum3A_148 = vector.multi_reduction <add>, %get3A_134, %reduce_sum3A_147 [1] : vector<128x2048xf32> to vector<128xf32>
    %broadcast_in_dim3A_149 = vector.shape_cast %reduce_sum3A_148 : vector<128xf32> to vector<128x1xf32>
    %add3A_150 = arith.addf %add3A_131, %broadcast_in_dim3A_149 : vector<128x1xf32>
    %get3A_151 = arith.constant 0 : index
    %get3A_152 = arith.constant 0 : index
    %get3A_153 = vector.load %arg2[%get3A_151, %get3A_152] : memref<128x2048xf32, #tpu.memory_space<vmem>>, vector<128x1xf32>
    %sub3A = arith.subf %add3A_150, %get3A_153 : vector<128x1xf32>
    %mul3A = arith.constant 6.10426059E-6 : f32
    %mul3A_154 = vector.broadcast %mul3A : f32 to vector<128x1xf32>
    %mul3A_155 = arith.mulf %mul3A_154, %sub3A : vector<128x1xf32>
    %sub3A_156 = arith.constant -1.29547679 : f32
    %sub3A_157 = vector.broadcast %sub3A_156 : f32 to vector<128x1xf32>
    %sub3A_158 = arith.subf %sub3A_157, %mul3A_155 : vector<128x1xf32>
    %mul3A_159 = arith.constant -0.899993896 : f32
    %mul3A_160 = vector.broadcast %mul3A_159 : f32 to vector<128x1xf32>
    %mul3A_161 = arith.mulf %mul3A_160, %add3A_146 : vector<128x1xf32>
    %add3A_162 = arith.addf %sub3A_158, %mul3A_161 : vector<128x1xf32>
    %reshape3A_163 = vector.shape_cast %add3A_162 : vector<128x1xf32> to vector<128xf32>
    %swap3A = arith.constant 0 : index
    %swap3A_164 = vector.load %arg10[%swap3A] : memref<128xf32, #tpu.memory_space<vmem>>, vector<128xf32>
    tpu.vector_store %arg10[%swap3A], %reshape3A_163 {strides = array<i32>} : memref<128xf32, #tpu.memory_space<vmem>>, vector<128xf32>,
    return
  }
  func.func @transform_0(%arg0: i32) -> i32 {
    %c0_i32 = arith.constant 0 : i32
    return %arg0 : i32
  }
  func.func @transform_1(%arg0: i32) -> (i32, i32) {
    %c0_i32 = arith.constant 0 : i32
    %c0_i32_0 = arith.constant 0 : i32
    return %arg0, %c0_i32 : i32, i32
  }
  func.func @transform_2(%arg0: i32) -> (i32, i32) {
    %c1_i32 = arith.constant 1 : i32
    %c0_i32 = arith.constant 0 : i32
    return %arg0, %c1_i32 : i32, i32
  }
  func.func @transform_3(%arg0: i32) -> (i32, i32) {
    %c2_i32 = arith.constant 2 : i32
    %c0_i32 = arith.constant 0 : i32
    return %arg0, %c2_i32 : i32, i32
  }
  func.func @transform_4(%arg0: i32) -> (i32, i32) {
    %c3_i32 = arith.constant 3 : i32
    %c0_i32 = arith.constant 0 : i32
    return %arg0, %c3_i32 : i32, i32
  }
  func.func @transform_5(%arg0: i32) -> (i32, i32) {
    %c4_i32 = arith.constant 4 : i32
    %c0_i32 = arith.constant 0 : i32
    return %arg0, %c4_i32 : i32, i32
  }
  func.func @transform_6(%arg0: i32) -> (i32, i32) {
    %c5_i32 = arith.constant 5 : i32
    %c0_i32 = arith.constant 0 : i32
    return %arg0, %c5_i32 : i32, i32
  }
  func.func @transform_7(%arg0: i32) -> (i32, i32) {
    %c6_i32 = arith.constant 6 : i32
    %c0_i32 = arith.constant 0 : i32
    return %arg0, %c6_i32 : i32, i32
  }
  func.func @transform_8(%arg0: i32) -> (i32, i32) {
    %c7_i32 = arith.constant 7 : i32
    %c0_i32 = arith.constant 0 : i32
    return %arg0, %c7_i32 : i32, i32
  }
  func.func @transform_9(%arg0: i32) -> i32 {
    %c0_i32 = arith.constant 0 : i32
    return %arg0 : i32
  }
}

</mosaic_0001>

<sc_bundles>
// kernel: kernel.5.cloned.1.call-start
scs
__scs_entry_jumppad:
0x0: {  	(pc) =	sbr.rel $0x88, $3  }
0x1: {  	(tag) =	ssettag $0x0;
	lr =	simm.s32 $0x1  }
0x2: {  	[smem:$0x3F9F] =	sst lr;
	_ =	strace $0xD0000000  }
0x3: {  	_ = 	snop  }
0x4: {  	_ = 	snop  }
0x5: {  	_ = 	snop  }
0x6: {  	_ = 	snop  }
0x7: {  	_ = 	snop  }
__scs_overlays_trampoline_lowered:
0x8: {  	[smem:$0x3FAE] =	sst s0  }
0x9: {  	[smem:$0x3FAF] =	sst s1  }
0xa: {  	[smem:$0x3FB0] =	sst s2  }
0xb: {  	[smem:$0x3FB1] =	sst s3  }
0xc: {  	[smem:$0x3FB2] =	sst s4  }
0xd: {  	[smem:$0x3FB3] =	sst s5  }
0xe: {  	[smem:$0x3FB4] =	sst s6  }
0xf: {  	[smem:$0x3FB5] =	sst s7  }
0x10: {  	[smem:$0x3FB6] =	sst s8  }
0x11: {  	[smem:$0x3FB7] =	sst s9;
	s0 =	simm.s32 @!p0 $0x0  }
0x12: {  	s1 =	sld [smem:$0x3F9D];
	s0 =	simm.s32 @p0 $0x1  }
0x13: {  	[smem:$0x3FB8] =	sst s0;
	s0 =	simm.s32 @!p1 $0x0  }
0x14: {  	s2 =	sld [smem:$0x3F9C];
	s0 =	simm.s32 @p1 $0x1  }
0x15: {  	[smem:$0x3FB9] =	sst s0;
	s0 =	simm.s32 @!p2 $0x0  }
0x16: {  	s3 =	sld [smem:$0x3FDB];
	s0 =	simm.s32 @p2 $0x1  }
0x17: {  	s4 =	simm.s32 $0x1BF5;
	[smem:$0x3FBB] =	sst s0  }
0x18: {  	s0 =	sld [smem:$0x3F9E];
	_ =	swait.ge [sflag:s4], $0x0  }
0x19: {  	s7 =	sld [smem:$0x3F9F]  }
0x1a: {  	s8 =	sadd.s32 $0xFFFFE003, lr  }
0x1b: {  	s9 =	sadd.s32 $0xFFFFFEF7, lr;
	s5 =	simm.s32 $0xFFFFFFFF;
	p2 =	slt.u32 s8, $0xFFFFF086  }
0x1c: {  	p1 =	slt.u32 s9, $0xF7A;
	s5 =	simm.s32 @!p2 $0x0  }
0x1d: {  	s5 =	simm.s32 @p1 $0x1;
	p0 =	seq.s32 s7, s2  }
0x1e: {  	s7 =	smul.u32 @!p0 $0xF7A, s2;
	p2 =	seq.s32 @!p0 s5, $0x0  }
0x1f: {  	s9 =	smul.u32 $0xF7A, s1;
	s8 =	simm.s32 @!p0 $0x1BF5;
	p2 =	por !p2, p0  }
0x20: {  	[sflag:s8] =	ssyncset.s32 @!p0 $0xFFFFF086;
	s6 =	sadd.s32 @!p0 s3, s7;
	s7 =	simm.s32 @!p0 $0x108  }
0x21: {  	s3 =	sadd.s32 s3, s9;
	s6 =	sadd.s32 @!p0 $0x88, s6;
	s7 =	simm.s32 @p2 $0x1082  }
0x22: {  	[simem:s7], [sflag:s8] =	dma.local @!p0 [hbm:s6], $0xF7A  }
0x23: {  	s9 =	sor.u32 $0xD0000000, s2;
	s6 =	simm.s32 $0x108;
	_ =	swait.ge @!p0 [sflag:s8], $0x0  }
0x24: {  	s3 =	sadd.s32 $0x88, s3;
	s6 =	simm.s32 @!p1 $0x1082;
	[sflag:s4] =	ssyncset.s32 $0xFFFFF086  }
0x25: {  	[simem:s6], [sflag:s4] =	dma.local [hbm:s3], $0xF7A  }
0x26: {  	[smem:$0x3F9F] =	sst s1;
	(tag) =	ssettag s2;
	_ =	strace s9  }
0x27: {  	s1 =	sld [smem:$0x3FAF]  }
0x28: {  	s2 =	sld [smem:$0x3FB0]  }
0x29: {  	s4 =	sld [smem:$0x3FB2]  }
0x2a: {  	p0 =	seq.s32 s5, $0x0;
	s5 =	sld [smem:$0x3FB3]  }
0x2b: {  	s6 =	sld [smem:$0x3FB4]  }
0x2c: {  	s7 =	sld [smem:$0x3FB5]  }
0x2d: {  	s3 =	simm.s32 $0x108;
	s8 =	sld [smem:$0x3FB6]  }
0x2e: {  	s3 =	simm.s32 @!p0 $0x1082;
	s9 =	sld [smem:$0x3FB7]  }
0x2f: {  	lr =	sadd.s32 s0, s3;
	s0 =	sld [smem:$0x3FAE]  }
0x30: {  	s3 =	sld [smem:$0x3FB1]  }
0x31: {  	[smem:$0x3FBA] =	sst s10  }
0x32: {  	s10 =	sld [smem:$0x3FB8];
	_ =	sdelay $0x3  }
0x33: {  	p0 =	seq.s32 s10, $0x1;
	s10 =	sld [smem:$0x3FBA];
	_ =	sdelay $0x3  }
0x34: {  	[smem:$0x3FBA] =	sst s10  }
0x35: {  	s10 =	sld [smem:$0x3FB9];
	_ =	sdelay $0x3  }
0x36: {  	p1 =	seq.s32 s10, $0x1;
	s10 =	sld [smem:$0x3FBA];
	_ =	sdelay $0x3  }
0x37: {  	[smem:$0x3FBA] =	sst s10  }
0x38: {  	s10 =	sld [smem:$0x3FBB]  }
0x39: {  	_ = 	snop;
	(pc) =	sbr.ind lr, $3  }
0x3a: {  	_ = 	snop  }
0x3b: {  	_ = 	snop  }
0x3c: {  	p2 =	seq.s32 s10, $0x1;
	s10 =	sld [smem:$0x3FBA]  }
0x3d: {  	_ =	shalt  }
0x3e: {  	_ =	shalt  }
0x3f: {  	_ =	shalt  }
0x40: {  	_ =	shalt  }
0x41: {  	_ =	shalt  }
0x42: {  	_ =	shalt  }
0x43: {  	_ =	shalt  }
0x44: {  	_ =	shalt  }
0x45: {  	_ =	shalt  }
0x46: {  	_ =	shalt  }
0x47: {  	_ =	shalt  }
0x48: {  	_ =	shalt  }
0x49: {  	_ =	shalt  }
0x4a: {  	_ =	shalt  }
0x4b: {  	_ =	shalt  }
0x4c: {  	_ =	shalt  }
0x4d: {  	_ =	shalt  }
0x4e: {  	_ =	shalt  }
0x4f: {  	_ =	shalt  }
0x50: {  	_ =	shalt  }
0x51: {  	_ =	shalt  }
0x52: {  	_ =	shalt  }
0x53: {  	_ =	shalt  }
0x54: {  	_ =	shalt  }
0x55: {  	_ =	shalt  }
0x56: {  	_ =	shalt  }
0x57: {  	_ =	shalt  }
0x58: {  	_ =	shalt  }
0x59: {  	_ =	shalt  }
0x5a: {  	_ =	shalt  }
0x5b: {  	_ =	shalt  }
0x5c: {  	_ =	shalt  }
0x5d: {  	_ =	shalt  }
0x5e: {  	_ =	shalt  }
0x5f: {  	_ =	shalt  }
0x60: {  	_ =	shalt  }
0x61: {  	_ =	shalt  }
0x62: {  	_ =	shalt  }
0x63: {  	_ =	shalt  }
0x64: {  	_ =	shalt  }
0x65: {  	_ =	shalt  }
0x66: {  	_ =	shalt  }
0x67: {  	_ =	shalt  }
0x68: {  	_ =	shalt  }
0x69: {  	_ =	shalt  }
0x6a: {  	_ =	shalt  }
0x6b: {  	_ =	shalt  }
0x6c: {  	_ =	shalt  }
0x6d: {  	_ =	shalt  }
0x6e: {  	_ =	shalt  }
0x6f: {  	_ =	shalt  }
0x70: {  	_ =	shalt  }
0x71: {  	_ =	shalt  }
0x72: {  	_ =	shalt  }
0x73: {  	_ =	shalt  }
0x74: {  	_ =	shalt  }
0x75: {  	_ =	shalt  }
0x76: {  	_ =	shalt  }
0x77: {  	_ =	shalt  }
0x78: {  	_ =	shalt  }
0x79: {  	_ =	shalt  }
0x7a: {  	_ =	shalt  }
0x7b: {  	_ =	shalt  }
0x7c: {  	_ =	shalt  }
0x7d: {  	_ =	shalt  }
0x7e: {  	_ =	shalt  }
0x7f: {  	_ =	shalt  }
0x80: {  	_ =	shalt  }
0x81: {  	_ =	shalt  }
0x82: {  	_ =	shalt  }
0x83: {  	_ =	shalt  }
0x84: {  	_ =	shalt  }
0x85: {  	_ =	shalt  }
0x86: {  	_ =	shalt  }
0x87: {  	_ =	shalt  }
.Lfunc_end0:
.L_simem_size_0:
called_computation_lowered:
.L_overlay_start_0:
0x88: {  	s2 =	sld [smem:$0x3FD9]  }
0x89: {  	s3 =	sld [smem:$0x3FFE];
	_ =	sdelay $0x1  }
0x8a: {  	s1 =	srdreg.scid  }
0x8b: {  	s0 =	sand.u32 $0x1, s1  }
0x8c: {  	s17 =	sshll.u32 s0, $0xA;
	s2 =	sadd.s32 s3, s2  }
0x8d: {  	s2 =	sadd.s32 s2, s17  }
0x8e: {  	[smem:$0x3FC6] =	sst s2  }
0x8f: {  	_ = 	snop  }
0x90: {  	s2 =	sld [smem:$0x3FC8];
	(tm) =	ssettm $0x1  }
0x91: {  	s18 =	sld [smem:$0x3FFB];
	_ =	sdelay $0x3  }
0x92: {  	_ =	strace s18  }
0x93: {  	s3 =	sld [smem:$0x3FFC];
	_ =	sdelay $0x3  }
0x94: {  	_ =	strace s3  }
0x95: {  	s3 =	sld [smem:$0x3FFD];
	_ =	sdelay $0x3  }
0x96: {  	_ =	strace s3  }
0x97: {  	_ =	strace $0x8FFFFFFF  }
0x98: {  	s19 =	sld [smem:$0x3FDB];
	_ =	sdelay $0x1  }
0x99: {  	s4 =	simm.s32 $_scs_section_size  }
0x9a: {  	s5 =	simm.s32 $_size__tile_overlayer_lowered;
	s6 =	simm.s32 $_tile_overlayer_lowered  }
0x9b: {  	s22 =	simm.s32 $0x1BFF;
	s21 =	sshll.u32 s6, $0x1;
	s3 =	sadd.s32 s4, s19  }
0x9c: {  	s7 =	simm.s32 $0x0;
	s20 =	sshll.u32 s5, $0x1;
	s5 =	sadd.s32 s21, s3  }
0x9d: {  	[timem:s7], [sflag:s22] =	dma.local [hbm:s5], s20  }
0x9e: {  	_ =	swait.ge [sflag:s22], s20  }
0x9f: {  	s4 =	ssub.s32 $0x0, s20;
	[sflag:s22] =	ssyncset.done $0x0  }
0xa0: {  	[sflag:s22] =	ssyncadd.s32 s4;
	_ =	sdelay $0x1  }
0xa1: {  	s23 =	simm.s32 $0x1B8B  }
0xa2: {  	_ =	swait.ge [sflag:s23], $0x1  }
0xa3: {  	[sflag:s23] =	ssyncset.done $0x0  }
0xa4: {  	s25 =	simm.s32 $0x1B8E;
	s24 =	sld [smem:$0x3FFE];
	[sflag:s23] =	ssyncadd.s32 $0xFFFFFFFF  }
0xa5: {  	s26 =	simm.s32 $execute0_lowered;
	[smem:$0x3FD2] =	sst s25  }
0xa6: {  	s5 =	sshll.u32 s26, $0x1;
	_ =	strace $0x80000046;
	[dreg:$0x1] =	wrdreg $0xFFFFFFFF  }
0xa7: {  	s28 =	simm.s32 $_size_execute0_lowered;
	s3 =	sadd.s32 s3, s5;
	[dreg:$0x0] =	wrdreg $0x0  }
0xa8: {  	s5 =	sshll.u32 s28, $0x1;
	[dreg:$0x2] =	wrdreg s3  }
0xa9: {  	[dreg:$0x3] =	wrdreg s5  }
0xaa: {  	[dreg:$0x4] =	wrdreg $0xC0  }
0xab: {  	_ =	task [dreg:s7], $0x5FFFF  }
0xac: {  	[dreg:$0x1] =	wrdreg $0xFFFFFFFF  }
0xad: {  	[dreg:$0x0] =	wrdreg $0x60  }
0xae: {  	[dreg:$0x2] =	wrdreg s2  }
0xaf: {  	[dreg:$0x3] =	wrdreg s24  }
0xb0: {  	[dreg:$0x4] =	wrdreg $0x9  }
0xb1: {  	_ =	task.clear_ibuf [dreg:s7], $0x5FFFF;
	_ =	strace $0x90000046  }
0xb2: {  	s29 =	simm.s32 $0x9;
	_ =	strace $0x80000048  }
0xb3: {  	_ =	swait.ge [sflag:s29], $0x1  }
0xb4: {  	[sflag:s29] =	ssyncadd.s32 $0xFFFFFFFF  }
0xb5: {  	_ =	strace $0x90000048  }
0xb6: {  	_ =	sfence  }
0xb7: {  	s30 =	sld [smem:$0x0];
	_ =	sdelay $0x2  }
0xb8: {  	s31 =	sshll.u32 s1, $0xD;
	s1 =	sshrl.u32 s1, $0x2  }
0xb9: {  	s3 =	sand.u32 $0x4000, s31;
	s1 =	sadd.s32 s1, s30  }
0xba: {  	s0 =	sor.u32 s3, s0;
	s1 =	sshll.u32 s1, $0x11  }
0xbb: {  	s0 =	sor.u32 s1, s0  }
0xbc: {  	s0 =	sadd.s32 $0x8F2B, s0  }
0xbd: {  	[sflag:s0] =	ssyncadd.remote.s32 $0x1  }
0xbe: {  	_ =	sfence.sel $0xFFFF  }
0xbf: {  	[dreg:$0x0] =	wrdreg $0xFFFFFFFF;
	(pc) =	sbr.abs _section_cstart, $3  }
0xc0: {  	[dreg:$0x1] =	wrdreg $0xFFFFFFFF  }
0xc1: {  	_ =	task.clear_ibuf [dreg:s7], $0x2FFFF;
	_ =	strace $0x9FFFFFFF  }
0xc2: {  	(tm) =	ssettm $0x7FFFFFFF  }
0xc3: {  	_ =	shalt  }
tec
execute0_lowered:
.L_overlay_start_1:
0x0: {  	(tag) =	ssettag $0x1  }
0x1: {  	s5 =	srdreg.scid  }
0x2: {  	s5 =	sand.u32 $0x1, s5  }
0x3: {  	s7 =	sshll.u32 s5, $0x4;
	s5 =	ssub.s32 $0x2, s5  }
0x4: {  	s1 =	stileid.u32;
	s31 =	sshrl.u32 s5, $0x1  }
0x5: {  	s6 =	sshll.u32 s1, $0x5;
	s5 =	ssub.s32 s5, s31  }
0x6: {  	s3 =	rddreg [dreg:$0x0];
	s6 =	sor.u32 s7, s6;
	s7 =	smax.u32 s5, $0x1  }
0x7: {  	s4 =	rddreg [dreg:$0x1];
	p3 =	sne.s32 s7, $0x1  }
.Ltmp0:
0x8: {  	s0 =	rddreg [dreg:$0x2];
	s2 =	simm.s32 $0x0;
	(pc) =	sbr.rel @!p3 .LBB2_1-.Ltmp0, $4  }
0x9: {  	p0 =	por $0x0, $0x0;
	[smem:$0x7FF] =	sst s2  }
0xa: {  	p1 =	por $0x0, $0x0;
	p2 =	por $0x0, $0x0;
	_ =	strace $0x80000047  }
0xb: {  	s4 =	sadd.s32 s6, s4;
	s6 =	sadd.s32 s3, s6;
	s3 =	simm.s32 $0x1  }
0xc: {  	v0 =	vimm.f32 $1.000000000e+00;
	s4 =	sadd.s32 $0x800, s4;
	s5 =	simm.s32 $0x80;
	s7 =	sadd.s32 $0xFFFFFFFF, s7  }
0xd: {  	p3 =	sne.s32 s7, $0x1  }
.Ltmp1:
0xe: {  	_ = 	snop;
	(pc) =	sbr.rel @!p3 .LBB2_3-.Ltmp1, $2  }
0xf: {  	_ =	sdelay $0x2  }
0x10: {  	s7 =	sadd.s32 $0xFFFFFFFF, s7;
	p0 =	por $0x1, $0x1  }
0x11: {  	p3 =	sne.s32 s7, $0x1  }
.Ltmp2:
0x12: {  	_ = 	snop;
	(pc) =	sbr.rel @!p3 .LBB2_5-.Ltmp2, $2  }
0x13: {  	_ =	sdelay $0x2  }
0x14: {  	s7 =	sadd.s32 $0xFFFFFFFF, s7;
	p1 =	por $0x1, $0x1  }
0x15: {  	[tilespmem:s2], [sflag:$0x1] =	stream.linear.gather [hbm4b:s6+s2], $0x80, $0x38;
	[tilespmem:$0x100] =	vst v63  }
0x16: {  	_ =	swait.ge [sflag:s3], $0x80  }
0x17: {  	[sflag:s3] =	ssyncset.done $0x0  }
0x18: {  	[sflag:s3] =	ssyncadd.s32 $0xFFFFFF80  }
0x19: {  	v1 =	vld [tilespmem:$0x30]  }
0x1a: {  	v2 =	vld [tilespmem:$0x0]  }
0x1b: {  	v3 =	vld [tilespmem:$0x40]  }
0x1c: {  	v4 =	vld [tilespmem:$0x20]  }
0x1d: {  	v5 =	vld [tilespmem:$0x10]  }
0x1e: {  	vm0 =	veq.s32 v1, $0x0;
	v1 =	vld [tilespmem:$0x70]  }
0x1f: {  	v6 =	vld [tilespmem:$0x50];
	vm1 =	veq.s32 v2, $0x0;
	v2 =	vsel vm0, $0x0, v0  }
0x20: {  	p3 =	sne.s32 s7, $0x1;
	v7 =	vsel vm1, $0x0, v0;
	vm0 =	veq.s32 v3, $0x0;
	[tilespmem:$0xB0] =	vst v2;
	v2 =	vld [tilespmem:$0x60]  }
.Ltmp3:
0x21: {  	vm1 =	veq.s32 v4, $0x0;
	[tilespmem:$0x80] =	vst v7;
	v3 =	vsel vm0, $0x0, v0;
	(pc) =	sbr.rel @!p3 .LBB2_8-.Ltmp3, $4  }
0x22: {  	vm0 =	veq.s32 v5, $0x0;
	v4 =	vsel vm1, $0x0, v0;
	[tilespmem:$0xC0] =	vst v3  }
0x23: {  	v3 =	vsel vm0, $0x0, v0;
	[tilespmem:$0xA0] =	vst v4;
	vm0 =	veq.s32 v1, $0x0  }
0x24: {  	vm1 =	veq.s32 v6, $0x0;
	[tilespmem:$0x90] =	vst v3;
	v3 =	vsel vm0, $0x0, v0  }
0x25: {  	s7 =	sadd.s32 $0xFFFFFFFF, s7;
	p2 =	por $0x1, $0x1;
	v1 =	vsel vm1, $0x0, v0;
	vm0 =	veq.s32 v2, $0x0;
	[tilespmem:$0xF0] =	vst v3  }
.LBB2_7:
0x26: {  	p3 =	sne.s32 s7, $0x1;
	s7 =	sadd.s32 $0xFFFFFFFF, s7;
	[tilespmem:$0xD0] =	vst v1;
	v1 =	vsel vm0, $0x0, v0  }
0x27: {  	[tilespmem:$0xE0] =	vst v1  }
0x28: {  	[hbm4b:s4+s2] =	stream.linear.scatter [tilespmem:s5], [sflag:$0x1], $0x80, $0x38;
	[tilespmem:$0x100] =	vst v63  }
0x29: {  	_ =	swait.ge [sflag:s3], $0x80  }
0x2a: {  	[sflag:s3] =	ssyncset.done $0x0  }
0x2b: {  	[sflag:s3] =	ssyncadd.s32 $0xFFFFFF80  }
0x2c: {  	[tilespmem:s2], [sflag:$0x1] =	stream.linear.gather [hbm4b:s6+s2], $0x80, $0x38;
	[tilespmem:$0x100] =	vst v63  }
0x2d: {  	_ =	swait.ge [sflag:s3], $0x80  }
0x2e: {  	[sflag:s3] =	ssyncset.done $0x0  }
0x2f: {  	[sflag:s3] =	ssyncadd.s32 $0xFFFFFF80  }
0x30: {  	v1 =	vld [tilespmem:$0x30]  }
0x31: {  	v2 =	vld [tilespmem:$0x0]  }
0x32: {  	v3 =	vld [tilespmem:$0x40]  }
0x33: {  	v4 =	vld [tilespmem:$0x20]  }
0x34: {  	v5 =	vld [tilespmem:$0x10]  }
0x35: {  	vm0 =	veq.s32 v1, $0x0;
	v1 =	vld [tilespmem:$0x70]  }
0x36: {  	vm1 =	veq.s32 v2, $0x0;
	v2 =	vsel vm0, $0x0, v0;
	v6 =	vld [tilespmem:$0x50]  }
0x37: {  	v7 =	vsel vm1, $0x0, v0;
	[tilespmem:$0xB0] =	vst v2;
	vm0 =	veq.s32 v3, $0x0;
	v2 =	vld [tilespmem:$0x60]  }
.Ltmp4:
0x38: {  	[tilespmem:$0x80] =	vst v7;
	vm1 =	veq.s32 v4, $0x0;
	v3 =	vsel vm0, $0x0, v0;
	(pc) =	sbr.rel @p3 .LBB2_7-.Ltmp4, $4  }
0x39: {  	vm0 =	veq.s32 v5, $0x0;
	v4 =	vsel vm1, $0x0, v0;
	[tilespmem:$0xC0] =	vst v3  }
0x3a: {  	v3 =	vsel vm0, $0x0, v0;
	[tilespmem:$0xA0] =	vst v4;
	vm0 =	veq.s32 v1, $0x0  }
0x3b: {  	[tilespmem:$0x90] =	vst v3;
	vm1 =	veq.s32 v6, $0x0;
	v3 =	vsel vm0, $0x0, v0  }
0x3c: {  	v1 =	vsel vm1, $0x0, v0;
	vm0 =	veq.s32 v2, $0x0;
	[tilespmem:$0xF0] =	vst v3  }
.LBB2_8:
0x3d: {  	[tilespmem:$0xD0] =	vst @p2 v1;
	v1 =	vsel @p2 vm0, $0x0, v0  }
0x3e: {  	[tilespmem:$0xE0] =	vst @p2 v1  }
0x3f: {  	[hbm4b:s4+s2] =	stream.linear.scatter @p2 [tilespmem:s5], [sflag:$0x1], $0x80, $0x38;
	[tilespmem:$0x100] =	vst v63  }
0x40: {  	_ =	swait.ge @p2 [sflag:s3], $0x80  }
0x41: {  	[sflag:s3] =	ssyncset.done @p2 $0x0  }
0x42: {  	[sflag:s3] =	ssyncadd.s32 @p2 $0xFFFFFF80  }
0x43: {  	[tilespmem:s2], [sflag:$0x1] =	stream.linear.gather @p1 [hbm4b:s6+s2], $0x80, $0x38;
	[tilespmem:$0x100] =	vst v63  }
0x44: {  	_ =	swait.ge @p1 [sflag:s3], $0x80  }
0x45: {  	[sflag:s3] =	ssyncset.done @p1 $0x0  }
0x46: {  	[sflag:s3] =	ssyncadd.s32 @p1 $0xFFFFFF80  }
0x47: {  	v1 =	vld @p1 [tilespmem:$0x30]  }
0x48: {  	v2 =	vld @p1 [tilespmem:$0x0]  }
0x49: {  	v3 =	vld @p1 [tilespmem:$0x40]  }
0x4a: {  	v4 =	vld @p1 [tilespmem:$0x20]  }
0x4b: {  	v5 =	vld @p1 [tilespmem:$0x10]  }
0x4c: {  	v6 =	vld @p1 [tilespmem:$0x70]  }
0x4d: {  	vm0 =	veq.s32 @p1 v1, $0x0;
	v1 =	vld @p1 [tilespmem:$0x50]  }
0x4e: {  	v7 =	vld @p1 [tilespmem:$0x60];
	vm1 =	veq.s32 @p1 v2, $0x0;
	v2 =	vsel @p1 vm0, $0x0, v0  }
0x4f: {  	vm0 =	veq.s32 @p1 v3, $0x0;
	[tilespmem:$0xB0] =	vst @p1 v2;
	v2 =	vsel @p1 vm1, $0x0, v0  }
0x50: {  	vm1 =	veq.s32 @p1 v4, $0x0;
	[tilespmem:$0x80] =	vst @p1 v2;
	v2 =	vsel @p1 vm0, $0x0, v0  }
0x51: {  	vm0 =	veq.s32 @p1 v5, $0x0;
	v3 =	vsel @p1 vm1, $0x0, v0;
	[tilespmem:$0xC0] =	vst @p1 v2  }
0x52: {  	v2 =	vsel @p1 vm0, $0x0, v0;
	[tilespmem:$0xA0] =	vst @p1 v3;
	vm0 =	veq.s32 @p1 v6, $0x0;
	vm1 =	veq.s32 @p1 v1, $0x0  }
0x53: {  	[tilespmem:$0x90] =	vst @p1 v2;
	v1 =	vsel @p1 vm0, $0x0, v0;
	vm0 =	veq.s32 @p1 v7, $0x0;
	v2 =	vsel @p1 vm1, $0x0, v0  }
0x54: {  	[tilespmem:$0xF0] =	vst @p1 v1;
	vm0 =	vmmov @p1 vm0;
	v1 =	vpsel p1, v2, v0  }
0x55: {  	[tilespmem:$0xD0] =	vst @p1 v1;
	v1 =	vsel @p1 vm0, $0x0, v0  }
0x56: {  	[tilespmem:$0xE0] =	vst @p1 v1  }
0x57: {  	[hbm4b:s4+s2] =	stream.linear.scatter @p1 [tilespmem:s5], [sflag:$0x1], $0x80, $0x38;
	[tilespmem:$0x100] =	vst v63  }
0x58: {  	_ =	swait.ge @p1 [sflag:s3], $0x80  }
0x59: {  	[sflag:s3] =	ssyncset.done @p1 $0x0  }
0x5a: {  	[sflag:s3] =	ssyncadd.s32 @p1 $0xFFFFFF80  }
0x5b: {  	[tilespmem:s2], [sflag:$0x1] =	stream.linear.gather @p0 [hbm4b:s6+s2], $0x80, $0x38;
	[tilespmem:$0x100] =	vst v63  }
0x5c: {  	_ =	swait.ge @p0 [sflag:s3], $0x80  }
0x5d: {  	[sflag:s3] =	ssyncset.done @p0 $0x0  }
0x5e: {  	[sflag:s3] =	ssyncadd.s32 @p0 $0xFFFFFF80  }
0x5f: {  	v1 =	vld @p0 [tilespmem:$0x30]  }
0x60: {  	v2 =	vld @p0 [tilespmem:$0x0]  }
0x61: {  	v3 =	vld @p0 [tilespmem:$0x40]  }
0x62: {  	v4 =	vld @p0 [tilespmem:$0x20]  }
0x63: {  	v5 =	vld @p0 [tilespmem:$0x10]  }
0x64: {  	v6 =	vld @p0 [tilespmem:$0x70]  }
0x65: {  	vm0 =	veq.s32 @p0 v1, $0x0;
	v1 =	vld @p0 [tilespmem:$0x50]  }
0x66: {  	v7 =	vld @p0 [tilespmem:$0x60];
	vm1 =	veq.s32 @p0 v2, $0x0;
	v2 =	vsel @p0 vm0, $0x0, v0  }
0x67: {  	vm0 =	veq.s32 @p0 v3, $0x0;
	[tilespmem:$0xB0] =	vst @p0 v2;
	v2 =	vsel @p0 vm1, $0x0, v0  }
0x68: {  	vm1 =	veq.s32 @p0 v4, $0x0;
	[tilespmem:$0x80] =	vst @p0 v2;
	v2 =	vsel @p0 vm0, $0x0, v0  }
0x69: {  	vm0 =	veq.s32 @p0 v5, $0x0;
	v3 =	vsel @p0 vm1, $0x0, v0;
	[tilespmem:$0xC0] =	vst @p0 v2  }
0x6a: {  	v2 =	vsel @p0 vm0, $0x0, v0;
	[tilespmem:$0xA0] =	vst @p0 v3;
	vm0 =	veq.s32 @p0 v6, $0x0;
	vm1 =	veq.s32 @p0 v1, $0x0  }
0x6b: {  	[tilespmem:$0x90] =	vst @p0 v2;
	v1 =	vsel @p0 vm0, $0x0, v0;
	vm0 =	veq.s32 @p0 v7, $0x0;
	v2 =	vsel @p0 vm1, $0x0, v0  }
0x6c: {  	[tilespmem:$0xF0] =	vst @p0 v1;
	vm0 =	vmmov @p0 vm0;
	v1 =	vpsel p0, v2, v0  }
0x6d: {  	[tilespmem:$0xD0] =	vst @p0 v1;
	v1 =	vsel @p0 vm0, $0x0, v0  }
0x6e: {  	[tilespmem:$0xE0] =	vst @p0 v1  }
0x6f: {  	[hbm4b:s4+s2] =	stream.linear.scatter @p0 [tilespmem:s5], [sflag:$0x1], $0x80, $0x38;
	[tilespmem:$0x100] =	vst v63  }
0x70: {  	_ =	swait.ge @p0 [sflag:s3], $0x80  }
0x71: {  	[sflag:s3] =	ssyncset.done @p0 $0x0  }
0x72: {  	[sflag:s3] =	ssyncadd.s32 @p0 $0xFFFFFF80  }
0x73: {  	[tilespmem:s2], [sflag:$0x1] =	stream.linear.gather [hbm4b:s6+s2], $0x80, $0x38;
	[tilespmem:$0x100] =	vst v63  }
0x74: {  	_ =	swait.ge [sflag:s3], $0x80  }
0x75: {  	[sflag:s3] =	ssyncset.done $0x0  }
0x76: {  	[sflag:s3] =	ssyncadd.s32 $0xFFFFFF80  }
0x77: {  	v51 =	vld [tilespmem:$0x30]  }
0x78: {  	v52 =	vld [tilespmem:$0x0]  }
0x79: {  	v53 =	vld [tilespmem:$0x40]  }
0x7a: {  	v54 =	vld [tilespmem:$0x20]  }
0x7b: {  	v55 =	vld [tilespmem:$0x10]  }
0x7c: {  	v56 =	vld [tilespmem:$0x70];
	vm8 =	veq.s32 v51, $0x0  }
0x7d: {  	v58 =	vld [tilespmem:$0x50];
	vm9 =	veq.s32 v52, $0x0;
	v57 =	vsel vm8, $0x0, v0  }
0x7e: {  	v60 =	vld [tilespmem:$0x60];
	vm10 =	veq.s32 v53, $0x0;
	v59 =	vsel vm9, $0x0, v0;
	[tilespmem:$0xB0] =	vst v57  }
0x7f: {  	vm11 =	veq.s32 v54, $0x0;
	v3 =	vsel vm10, $0x0, v0;
	[tilespmem:$0x80] =	vst v59  }
0x80: {  	vm12 =	veq.s32 v55, $0x0;
	v4 =	vsel vm11, $0x0, v0;
	[tilespmem:$0xC0] =	vst v3  }
0x81: {  	vm13 =	veq.s32 v56, $0x0;
	v61 =	vsel vm12, $0x0, v0;
	[tilespmem:$0xA0] =	vst v4  }
0x82: {  	vm14 =	veq.s32 v58, $0x0;
	v1 =	vsel vm13, $0x0, v0;
	[tilespmem:$0x90] =	vst v61  }
0x83: {  	vm15 =	veq.s32 v60, $0x0;
	v62 =	vsel vm14, $0x0, v0;
	[tilespmem:$0xF0] =	vst v1  }
0x84: {  	v63 =	vsel vm15, $0x0, v0;
	[tilespmem:$0xD0] =	vst v62  }
0x85: {  	[tilespmem:$0xE0] =	vst v63  }
0x86: {  	[hbm4b:s4+s2] =	stream.linear.scatter [tilespmem:s5], [sflag:$0x1], $0x80, $0x38;
	[tilespmem:$0x100] =	vst v63  }
0x87: {  	_ =	swait.ge [sflag:s3], $0x80  }
0x88: {  	[sflag:s3] =	ssyncset.done $0x0  }
0x89: {  	[sflag:s3] =	ssyncadd.s32 $0xFFFFFF80  }
0x8a: {  	_ =	sfence.sel $0x180000  }
0x8b: {  	[bflag:$0x0] =	sbarrier.arrive $0xFFFF  }
0x8c: {  	p0 =	sne.s32 s1, $0x0;
	_ =	strace $0x90000047  }
0x8d: {  	s0 =	sadd.s32 @!p0 $0x100000, s0;
	[bflag:$0x2] =	sbarrier.arrive $0xFFFF  }
0x8e: {  	[sflag:s0] =	ssyncadd.tile.s32 @!p0 $0x1;
	_ =	shalt  }
.LBB2_1:
.Ltmp5:
0x8f: {  	(pc) =	sbr.rel .LBB2_8-.Ltmp5, $2  }
0x90: {  	_ =	sdelay $0x2  }
0x91: {  	_ = 	snop  }
.LBB2_3:
.Ltmp6:
0x92: {  	(pc) =	sbr.rel .LBB2_8-.Ltmp6, $2  }
0x93: {  	_ =	sdelay $0x2  }
0x94: {  	_ = 	snop  }
.LBB2_5:
.Ltmp7:
0x95: {  	(pc) =	sbr.rel .LBB2_8-.Ltmp7, $2  }
0x96: {  	_ =	sdelay $0x2  }
0x97: {  	_ = 	snop  }
.Lfunc_end2:
_tile_overlayer_lowered:
.L_overlay_start_2:
0x98: {  	(tag) =	ssettag $0x2  }
0x99: {  	s0 =	rddreg [dreg:$0x0];
	s2 =	stileid.u32  }
0x9a: {  	s1 =	rddreg [dreg:$0x1];
	p0 =	sne.s32 s2, $0x0  }
0x9b: {  	s3 =	rddreg [dreg:$0x2];
	[bflag:$0x3] =	sbarrier.arrive $0xFFFF;
	s2 =	simm.s32 @!p0 $0x1C01  }
0x9c: {  	[timem:s3], [sflag:s2] =	dma.local @!p0 [hbm:s0], s1  }
0x9d: {  	s0 =	simm.s32 @!p0 $0x1  }
0x9e: {  	_ =	swait.ge @!p0 [sflag:s0], s1  }
0x9f: {  	s1 =	ssub.s32 @!p0 $0x0, s1;
	[sflag:s0] =	ssyncset.done @!p0 $0x0  }
0xa0: {  	[sflag:s0] =	ssyncadd.s32 @!p0 s1  }
0xa1: {  	[bflag:$0x3] =	sbarrier.arrive $0xFFFF  }
0xa2: {  	_ =	shalt  }

</sc_bundles>
